<compile_context>
chip_gen: v7x
topology: tpu7x:2x2x1
jax: 0.10.2.dev20260603
libtpu: 0.0.44.dev20260713+nightly
codegen_flags: <defaults>
</compile_context>

<pallas_src>
import jax
import jax.numpy as jnp
from jax import lax
from jax.experimental import pallas as pl
from jax.experimental.pallas import tpu as pltpu

_BB = 8
_R = _BB * 24 * 3


def _dot(a, b):
    return lax.dot(a, b, preferred_element_type=jnp.float32)


def _body(months_ref, ch_ref, pos_ref, mtab_ref, tok_ref, out_ref):
    tok = tok_ref[0]
    n = tok.shape[1] // 4
    m = months_ref[0]
    oh = (m[..., None] == lax.broadcasted_iota(jnp.int32, (_BB, 24, 12), 2))
    oh192 = oh.astype(jnp.float32).reshape(_BB * 24, 12)
    mo192 = _dot(oh192, mtab_ref[...])
    r_i = lax.broadcasted_iota(jnp.int32, (_R, _BB * 24), 0)
    g_i = lax.broadcasted_iota(jnp.int32, (_R, _BB * 24), 1)
    p_g = (r_i // 3 == g_i).astype(jnp.float32)
    mo = _dot(p_g, mo192)
    r3 = lax.broadcasted_iota(jnp.int32, (_R, 3), 0)
    s3 = lax.broadcasted_iota(jnp.int32, (_R, 3), 1)
    p_s = (r3 % 3 == s3).astype(jnp.float32)
    ch = _dot(p_s, ch_ref[...])
    r24 = lax.broadcasted_iota(jnp.int32, (_R, 24), 0)
    t24 = lax.broadcasted_iota(jnp.int32, (_R, 24), 1)
    p_t = (r24 // 3 % 24 == t24).astype(jnp.float32)
    pos = _dot(p_t, pos_ref[...])
    out_ref[0, :, 0:n] = tok[:, 0:n] + ch
    out_ref[0, :, n:2 * n] = tok[:, n:2 * n] + pos
    out_ref[0, :, 2 * n:3 * n] = tok[:, 2 * n:3 * n] + mo
    out_ref[0, :, 3 * n:] = tok[:, 3 * n:]


@jax.jit
def kernel(modality_tokens, timestamps, channel_embed, pos_embed, month_tab):
    b, t, bs, d = modality_tokens.shape
    n = d // 4
    g = b // _BB
    months = timestamps[:, :, 1].astype(jnp.int32).reshape(g, _BB, t)
    tok3 = modality_tokens.reshape(g, _R, d)
    out = pl.pallas_call(
        _body,
        grid=(g,),
        in_specs=[
            pl.BlockSpec((1, _BB, t), lambda i: (i, 0, 0)),
            pl.BlockSpec((bs, n), lambda i: (0, 0)),
            pl.BlockSpec((t, n), lambda i: (0, 0)),
            pl.BlockSpec((12, n), lambda i: (0, 0)),
            pl.BlockSpec((1, _R, d), lambda i: (i, 0, 0)),
        ],
        out_specs=pl.BlockSpec((1, _R, d), lambda i: (i, 0, 0)),
        out_shape=jax.ShapeDtypeStruct((g, _R, d), jnp.float32),
        compiler_params=pltpu.CompilerParams(
            dimension_semantics=("arbitrary",),
            vmem_limit_bytes=100 * 1024 * 1024,
        ),
    )(months, channel_embed, pos_embed[:t], month_tab, tok3)
    return out.reshape(b, t, bs, d)

# --- scband reference (transcript-rebuilt; emitter-appended) ---
"""Pipeline reference for scband-composite-encodings-36756330119237 (READ-ONLY COPY).

The authoritative reference and input builder live on the scoring server;
editing this copy changes nothing except your own understanding.
"""

import jax, jax.numpy as jnp
import numpy as np

EMBED = 1024
N = EMBED // 4  # embedding_dim_per_embedding_type
MAX_SEQ = 64
B, T, BS = 256, 24, 3


def get_1d_sincos_pos_encoding(pos, dim):
    half = dim // 2
    omega = 1.0 / (10000.0 ** (np.arange(half, dtype=np.float64) / float(half)))
    out = np.asarray(pos, dtype=np.float64)[:, None] * omega[None, :]
    return jnp.asarray(np.concatenate([np.sin(out), np.cos(out)], axis=-1), dtype=jnp.float32)


def get_month_encoding_table(dim):
    assert dim % 2 == 0
    angles = np.arange(0, 13, dtype=np.float64) / (12.0 / (2.0 * np.pi))
    sin_table = np.sin(np.stack([angles for _ in range(dim // 2)], axis=-1))
    cos_table = np.cos(np.stack([angles for _ in range(dim // 2)], axis=-1))
    tab = np.concatenate([sin_table[:-1], cos_table[:-1]], axis=-1)
    return jnp.asarray(tab, dtype=jnp.float32)


def setup_inputs(seed: int = 0) -> dict:
    key = jax.random.key(seed)
    k1, k2, k3 = jax.random.split(key, 3)
    modality_tokens = jax.random.normal(k1, (B, T, BS, EMBED), dtype=jnp.float32)
    timestamps = jax.random.randint(k2, (B, T, 3), 0, 12, dtype=jnp.int64 if jax.config.jax_enable_x64 else jnp.int32)
    # learnable channel embeddings, random init (random_channel_embeddings=True)
    channel_embed = jax.random.uniform(k3, (BS, N), dtype=jnp.float32)
    pos_embed = get_1d_sincos_pos_encoding(np.arange(MAX_SEQ), N)  # frozen
    month_tab = get_month_encoding_table(N)  # frozen, [12, N]
    return {
        'modality_tokens': modality_tokens,
        'timestamps': timestamps,
        'channel_embed': channel_embed,
        'pos_embed': pos_embed,
        'month_tab': month_tab,
    }


def reference(modality_tokens, timestamps, channel_embed, pos_embed, month_tab):
    # _apply_encodings_per_modality for ndim==4 tokens (b, t, b_s, d),
    # multitemporal + non-spatial modality, use_modality_encodings=True,
    # use_temporal_encodings=True.
    b, t, b_s, d = modality_tokens.shape
    n = d // 4
    modality_embed = jnp.zeros_like(modality_tokens)
    # channel (modality) encodings -> [..., :n]
    ch = jnp.broadcast_to(channel_embed[None, None, :, :], (b, t, b_s, n))
    modality_embed = modality_embed.at[..., :n].add(ch)
    # temporal position encodings -> [..., n:2n]
    te = jnp.broadcast_to(pos_embed[:t][None, :, None, :], (b, t, b_s, n))
    modality_embed = modality_embed.at[..., n:2 * n].add(te)
    # month embedding lookup -> [..., 2n:3n]
    months = timestamps[:, :, 1]
    mo = jnp.take(month_tab, months, axis=0)  # [b, t, n]
    mo = jnp.broadcast_to(mo[:, :, None, :], (b, t, b_s, n))
    modality_embed = modality_embed.at[..., 2 * n:3 * n].add(mo)
    return modality_tokens + modality_embed

if __name__ == "__main__":
    import jax
    _d = setup_inputs()
    print(jax.jit(kernel)(*tuple(_d.values())))

</pallas_src>

<mosaic_0001>
module attributes {stable_mosaic.version = 14 : i64} {
  func.func @_body(%arg0: i32, %arg1: memref<1x8x24xi32, #tpu.memory_space<vmem>>, %arg2: memref<3x256xf32, #tpu.memory_space<vmem>>, %arg3: memref<24x256xf32, #tpu.memory_space<vmem>>, %arg4: memref<12x256xf32, #tpu.memory_space<vmem>>, %arg5: memref<1x576x1024xf32, #tpu.memory_space<vmem>>, %arg6: memref<1x576x1024xf32, #tpu.memory_space<vmem>>) attributes {dimension_semantics = [#tpu.dimension_semantics<arbitrary>], iteration_bounds = array<i64: 32>, scalar_prefetch = 0 : i64, scratch_operands = 0 : i64, tpu.core_type = #tpu.core_type<tc>, window_params = [{transform_indices = @transform_0, window_bounds = array<i64: 1, 8, 24>}, {pipeline_mode = #tpu.pipeline_mode<synchronous>, transform_indices = @transform_1, window_bounds = array<i64: 3, 256>}, {pipeline_mode = #tpu.pipeline_mode<synchronous>, transform_indices = @transform_2, window_bounds = array<i64: 24, 256>}, {pipeline_mode = #tpu.pipeline_mode<synchronous>, transform_indices = @transform_3, window_bounds = array<i64: 12, 256>}, {transform_indices = @transform_4, window_bounds = array<i64: 1, 576, 1024>}, {transform_indices = @transform_5, window_bounds = array<i64: 1, 576, 1024>}]} {
    %get3A = arith.constant 0 : index
    %get3A_0 = arith.constant 0 : index
    %get3A_1 = arith.constant 0 : index
    %get3A_2 = vector.load %arg5[%get3A, %get3A_0, %get3A_1] : memref<1x576x1024xf32, #tpu.memory_space<vmem>>, vector<1x576x1024xf32>
    %get3A_3 = vector.shape_cast %get3A_2 : vector<1x576x1024xf32> to vector<576x1024xf32>
    %get3A_4 = arith.constant 0 : index
    %get3A_5 = arith.constant 0 : index
    %get3A_6 = arith.constant 0 : index
    %get3A_7 = vector.load %arg1[%get3A_4, %get3A_5, %get3A_6] : memref<1x8x24xi32, #tpu.memory_space<vmem>>, vector<1x8x24xi32>
    %get3A_8 = vector.shape_cast %get3A_7 : vector<1x8x24xi32> to vector<8x24xi32>
    %broadcast_in_dim3A = vector.shape_cast %get3A_8 : vector<8x24xi32> to vector<8x24x1xi32>
    %iota3A = tpu.iota {dimensions = array<i32: 2>} : vector<8x24x12xi32>
    %eq3A = vector.broadcast %broadcast_in_dim3A : vector<8x24x1xi32> to vector<8x24x12xi32>
    %eq3A_9 = arith.cmpi eq, %eq3A, %iota3A : vector<8x24x12xi32>
    %convert_element_type3A = arith.extui %eq3A_9 : vector<8x24x12xi1> to vector<8x24x12xi32>
    %convert_element_type3A_10 = arith.sitofp %convert_element_type3A : vector<8x24x12xi32> to vector<8x24x12xf32>
    %reshape3A = vector.shape_cast %convert_element_type3A_10 : vector<8x24x12xf32> to vector<192x12xf32>
    %get3A_11 = arith.constant 0 : index
    %get3A_12 = arith.constant 0 : index
    %get3A_13 = vector.load %arg4[%get3A_11, %get3A_12] : memref<12x256xf32, #tpu.memory_space<vmem>>, vector<12x256xf32>
    %dot_general3A = arith.constant dense<0.000000e+00> : vector<192x256xf32>
    %dot_general3A_14 = tpu.matmul %reshape3A, %get3A_13, %dot_general3A {dimension_numbers = #tpu.dot_dimension_numbers<[1], [0], [0], [1], [0, 0, 1, 1], [], []>, transpose_lhs_hint = false} : vector<192x12xf32>, vector<12x256xf32>, vector<192x256xf32> -> vector<192x256xf32>
    %iota3A_15 = tpu.iota {dimensions = array<i32: 0>} : vector<576x192xi32>
    %iota3A_16 = tpu.iota {dimensions = array<i32: 1>} : vector<576x192xi32>
    %jit3A = arith.constant 3 : i32
    %div3A = vector.broadcast %jit3A : i32 to vector<576x192xi32>
    %div3A_17 = arith.divsi %iota3A_15, %div3A : vector<576x192xi32>
    %sign3A = arith.constant 0 : i32
    %sign3A_18 = vector.broadcast %sign3A : i32 to vector<576x192xi32>
    %sign3A_19 = arith.cmpi sgt, %iota3A_15, %sign3A_18 : vector<576x192xi32>
    %sign3A_20 = arith.extui %sign3A_19 : vector<576x192xi1> to vector<576x192xi32>
    %sign3A_21 = arith.constant 0 : i32
    %sign3A_22 = vector.broadcast %sign3A_21 : i32 to vector<576x192xi32>
    %sign3A_23 = arith.cmpi slt, %iota3A_15, %sign3A_22 : vector<576x192xi32>
    %sign3A_24 = arith.extui %sign3A_23 : vector<576x192xi1> to vector<576x192xi32>
    %sign3A_25 = arith.subi %sign3A_20, %sign3A_24 : vector<576x192xi32>
    %sign3A_26 = arith.constant 0 : i32
    %sign3A_27 = arith.cmpi sgt, %jit3A, %sign3A_26 : i32
    %sign3A_28 = arith.extui %sign3A_27 : i1 to i32
    %sign3A_29 = arith.constant 0 : i32
    %sign3A_30 = arith.cmpi slt, %jit3A, %sign3A_29 : i32
    %sign3A_31 = arith.extui %sign3A_30 : i1 to i32
    %sign3A_32 = arith.subi %sign3A_28, %sign3A_31 : i32
    %ne3A = vector.broadcast %sign3A_32 : i32 to vector<576x192xi32>
    %ne3A_33 = arith.cmpi ne, %sign3A_25, %ne3A : vector<576x192xi32>
    %rem3A = vector.broadcast %jit3A : i32 to vector<576x192xi32>
    %rem3A_34 = arith.remsi %iota3A_15, %rem3A : vector<576x192xi32>
    %ne3A_35 = arith.constant 0 : i32
    %ne3A_36 = vector.broadcast %ne3A_35 : i32 to vector<576x192xi32>
    %ne3A_37 = arith.cmpi ne, %rem3A_34, %ne3A_36 : vector<576x192xi32>
    %and3A = arith.andi %ne3A_33, %ne3A_37 : vector<576x192xi1>
    %sub3A = arith.constant 1 : i32
    %sub3A_38 = vector.broadcast %sub3A : i32 to vector<576x192xi32>
    %sub3A_39 = arith.subi %div3A_17, %sub3A_38 : vector<576x192xi32>
    %select_n3A = arith.select %and3A, %sub3A_39, %div3A_17 : vector<576x192xi1>, vector<576x192xi32>
    %eq3A_40 = arith.cmpi eq, %select_n3A, %iota3A_16 : vector<576x192xi32>
    %convert_element_type3A_41 = arith.extui %eq3A_40 : vector<576x192xi1> to vector<576x192xi32>
    %convert_element_type3A_42 = arith.sitofp %convert_element_type3A_41 : vector<576x192xi32> to vector<576x192xf32>
    %dot_general3A_43 = arith.constant dense<0.000000e+00> : vector<576x256xf32>
    %dot_general3A_44 = tpu.matmul %convert_element_type3A_42, %dot_general3A_14, %dot_general3A_43 {dimension_numbers = #tpu.dot_dimension_numbers<[1], [0], [0], [1], [0, 0, 1, 1], [], []>, transpose_lhs_hint = false} : vector<576x192xf32>, vector<192x256xf32>, vector<576x256xf32> -> vector<576x256xf32>
    %iota3A_45 = tpu.iota {dimensions = array<i32: 0>} : vector<576x3xi32>
    %iota3A_46 = tpu.iota {dimensions = array<i32: 1>} : vector<576x3xi32>
    %jit3A_47 = arith.constant 3 : i32
    %eq3A_48 = arith.constant 0 : i32
    %eq3A_49 = arith.cmpi eq, %jit3A_47, %eq3A_48 : i32
    %jit3A_50 = arith.constant 1 : i32
    %select_n3A_51 = arith.select %eq3A_49, %jit3A_50, %jit3A_47 : i32
    %rem3A_52 = vector.broadcast %select_n3A_51 : i32 to vector<576x3xi32>
    %rem3A_53 = arith.remsi %iota3A_45, %rem3A_52 : vector<576x3xi32>
    %ne3A_54 = arith.constant 0 : i32
    %ne3A_55 = vector.broadcast %ne3A_54 : i32 to vector<576x3xi32>
    %ne3A_56 = arith.cmpi ne, %rem3A_53, %ne3A_55 : vector<576x3xi32>
    %lt3A = arith.constant 0 : i32
    %lt3A_57 = vector.broadcast %lt3A : i32 to vector<576x3xi32>
    %lt3A_58 = arith.cmpi slt, %rem3A_53, %lt3A_57 : vector<576x3xi32>
    %lt3A_59 = arith.constant 0 : i32
    %lt3A_60 = arith.cmpi slt, %select_n3A_51, %lt3A_59 : i32
    %ne3A_61 = vector.broadcast %lt3A_60 : i1 to vector<576x3xi1>
    %ne3A_62 = vector.broadcast %ne3A_61 : vector<576x3xi1> to vector<576x3xi1>
    %ne3A_63 = arith.xori %lt3A_58, %ne3A_62 : vector<576x3xi1>
    %and3A_64 = arith.andi %ne3A_63, %ne3A_56 : vector<576x3xi1>
    %add3A = vector.broadcast %select_n3A_51 : i32 to vector<576x3xi32>
    %add3A_65 = arith.addi %rem3A_53, %add3A : vector<576x3xi32>
    %select_n3A_66 = arith.select %and3A_64, %add3A_65, %rem3A_53 : vector<576x3xi1>, vector<576x3xi32>
    %eq3A_67 = arith.cmpi eq, %select_n3A_66, %iota3A_46 : vector<576x3xi32>
    %convert_element_type3A_68 = arith.extui %eq3A_67 : vector<576x3xi1> to vector<576x3xi32>
    %convert_element_type3A_69 = arith.sitofp %convert_element_type3A_68 : vector<576x3xi32> to vector<576x3xf32>
    %get3A_70 = arith.constant 0 : index
    %get3A_71 = arith.constant 0 : index
    %get3A_72 = vector.load %arg2[%get3A_70, %get3A_71] : memref<3x256xf32, #tpu.memory_space<vmem>>, vector<3x256xf32>
    %dot_general3A_73 = arith.constant dense<0.000000e+00> : vector<576x256xf32>
    %dot_general3A_74 = tpu.matmul %convert_element_type3A_69, %get3A_72, %dot_general3A_73 {dimension_numbers = #tpu.dot_dimension_numbers<[1], [0], [0], [1], [0, 0, 1, 1], [], []>, transpose_lhs_hint = false} : vector<576x3xf32>, vector<3x256xf32>, vector<576x256xf32> -> vector<576x256xf32>
    %iota3A_75 = tpu.iota {dimensions = array<i32: 0>} : vector<576x24xi32>
    %iota3A_76 = tpu.iota {dimensions = array<i32: 1>} : vector<576x24xi32>
    %jit3A_77 = arith.constant 3 : i32
    %div3A_78 = vector.broadcast %jit3A_77 : i32 to vector<576x24xi32>
    %div3A_79 = arith.divsi %iota3A_75, %div3A_78 : vector<576x24xi32>
    %sign3A_80 = arith.constant 0 : i32
    %sign3A_81 = vector.broadcast %sign3A_80 : i32 to vector<576x24xi32>
    %sign3A_82 = arith.cmpi sgt, %iota3A_75, %sign3A_81 : vector<576x24xi32>
    %sign3A_83 = arith.extui %sign3A_82 : vector<576x24xi1> to vector<576x24xi32>
    %sign3A_84 = arith.constant 0 : i32
    %sign3A_85 = vector.broadcast %sign3A_84 : i32 to vector<576x24xi32>
    %sign3A_86 = arith.cmpi slt, %iota3A_75, %sign3A_85 : vector<576x24xi32>
    %sign3A_87 = arith.extui %sign3A_86 : vector<576x24xi1> to vector<576x24xi32>
    %sign3A_88 = arith.subi %sign3A_83, %sign3A_87 : vector<576x24xi32>
    %sign3A_89 = arith.constant 0 : i32
    %sign3A_90 = arith.cmpi sgt, %jit3A_77, %sign3A_89 : i32
    %sign3A_91 = arith.extui %sign3A_90 : i1 to i32
    %sign3A_92 = arith.constant 0 : i32
    %sign3A_93 = arith.cmpi slt, %jit3A_77, %sign3A_92 : i32
    %sign3A_94 = arith.extui %sign3A_93 : i1 to i32
    %sign3A_95 = arith.subi %sign3A_91, %sign3A_94 : i32
    %ne3A_96 = vector.broadcast %sign3A_95 : i32 to vector<576x24xi32>
    %ne3A_97 = arith.cmpi ne, %sign3A_88, %ne3A_96 : vector<576x24xi32>
    %rem3A_98 = vector.broadcast %jit3A_77 : i32 to vector<576x24xi32>
    %rem3A_99 = arith.remsi %iota3A_75, %rem3A_98 : vector<576x24xi32>
    %ne3A_100 = arith.constant 0 : i32
    %ne3A_101 = vector.broadcast %ne3A_100 : i32 to vector<576x24xi32>
    %ne3A_102 = arith.cmpi ne, %rem3A_99, %ne3A_101 : vector<576x24xi32>
    %and3A_103 = arith.andi %ne3A_97, %ne3A_102 : vector<576x24xi1>
    %sub3A_104 = arith.constant 1 : i32
    %sub3A_105 = vector.broadcast %sub3A_104 : i32 to vector<576x24xi32>
    %sub3A_106 = arith.subi %div3A_79, %sub3A_105 : vector<576x24xi32>
    %select_n3A_107 = arith.select %and3A_103, %sub3A_106, %div3A_79 : vector<576x24xi1>, vector<576x24xi32>
    %jit3A_108 = arith.constant 24 : i32
    %eq3A_109 = arith.constant 0 : i32
    %eq3A_110 = arith.cmpi eq, %jit3A_108, %eq3A_109 : i32
    %jit3A_111 = arith.constant 1 : i32
    %select_n3A_112 = arith.select %eq3A_110, %jit3A_111, %jit3A_108 : i32
    %rem3A_113 = vector.broadcast %select_n3A_112 : i32 to vector<576x24xi32>
    %rem3A_114 = arith.remsi %select_n3A_107, %rem3A_113 : vector<576x24xi32>
    %ne3A_115 = arith.constant 0 : i32
    %ne3A_116 = vector.broadcast %ne3A_115 : i32 to vector<576x24xi32>
    %ne3A_117 = arith.cmpi ne, %rem3A_114, %ne3A_116 : vector<576x24xi32>
    %lt3A_118 = arith.constant 0 : i32
    %lt3A_119 = vector.broadcast %lt3A_118 : i32 to vector<576x24xi32>
    %lt3A_120 = arith.cmpi slt, %rem3A_114, %lt3A_119 : vector<576x24xi32>
    %lt3A_121 = arith.constant 0 : i32
    %lt3A_122 = arith.cmpi slt, %select_n3A_112, %lt3A_121 : i32
    %ne3A_123 = vector.broadcast %lt3A_122 : i1 to vector<576x24xi1>
    %ne3A_124 = vector.broadcast %ne3A_123 : vector<576x24xi1> to vector<576x24xi1>
    %ne3A_125 = arith.xori %lt3A_120, %ne3A_124 : vector<576x24xi1>
    %and3A_126 = arith.andi %ne3A_125, %ne3A_117 : vector<576x24xi1>
    %add3A_127 = vector.broadcast %select_n3A_112 : i32 to vector<576x24xi32>
    %add3A_128 = arith.addi %rem3A_114, %add3A_127 : vector<576x24xi32>
    %select_n3A_129 = arith.select %and3A_126, %add3A_128, %rem3A_114 : vector<576x24xi1>, vector<576x24xi32>
    %eq3A_130 = arith.cmpi eq, %select_n3A_129, %iota3A_76 : vector<576x24xi32>
    %convert_element_type3A_131 = arith.extui %eq3A_130 : vector<576x24xi1> to vector<576x24xi32>
    %convert_element_type3A_132 = arith.sitofp %convert_element_type3A_131 : vector<576x24xi32> to vector<576x24xf32>
    %get3A_133 = arith.constant 0 : index
    %get3A_134 = arith.constant 0 : index
    %get3A_135 = vector.load %arg3[%get3A_133, %get3A_134] : memref<24x256xf32, #tpu.memory_space<vmem>>, vector<24x256xf32>
    %dot_general3A_136 = arith.constant dense<0.000000e+00> : vector<576x256xf32>
    %dot_general3A_137 = tpu.matmul %convert_element_type3A_132, %get3A_135, %dot_general3A_136 {dimension_numbers = #tpu.dot_dimension_numbers<[1], [0], [0], [1], [0, 0, 1, 1], [], []>, transpose_lhs_hint = false} : vector<576x24xf32>, vector<24x256xf32>, vector<576x256xf32> -> vector<576x256xf32>
    %slice3A = vector.extract_strided_slice %get3A_3 {offsets = [0, 0], sizes = [576, 256], strides = [1, 1]} : vector<576x1024xf32> to vector<576x256xf32>
    %add3A_138 = arith.addf %slice3A, %dot_general3A_74 : vector<576x256xf32>
    %swap3A = arith.constant 0 : index
    %swap3A_139 = arith.constant 0 : index
    %swap3A_140 = arith.constant 0 : index
    %swap3A_141 = vector.load %arg6[%swap3A, %swap3A_139, %swap3A_140] : memref<1x576x1024xf32, #tpu.memory_space<vmem>>, vector<1x576x256xf32>
    %swap3A_142 = vector.shape_cast %swap3A_141 : vector<1x576x256xf32> to vector<576x256xf32>
    %swap3A_143 = vector.shape_cast %add3A_138 : vector<576x256xf32> to vector<1x576x256xf32>
    tpu.vector_store %arg6[%swap3A, %swap3A_139, %swap3A_140], %swap3A_143 {strides = array<i32>} : memref<1x576x1024xf32, #tpu.memory_space<vmem>>, vector<1x576x256xf32>,
    %slice3A_144 = vector.extract_strided_slice %get3A_3 {offsets = [0, 256], sizes = [576, 256], strides = [1, 1]} : vector<576x1024xf32> to vector<576x256xf32>
    %add3A_145 = arith.addf %slice3A_144, %dot_general3A_137 : vector<576x256xf32>
    %swap3A_146 = arith.constant 0 : index
    %swap3A_147 = arith.constant 0 : index
    %swap3A_148 = arith.constant 256 : index
    %swap3A_149 = vector.load %arg6[%swap3A_146, %swap3A_147, %swap3A_148] : memref<1x576x1024xf32, #tpu.memory_space<vmem>>, vector<1x576x256xf32>
    %swap3A_150 = vector.shape_cast %swap3A_149 : vector<1x576x256xf32> to vector<576x256xf32>
    %swap3A_151 = vector.shape_cast %add3A_145 : vector<576x256xf32> to vector<1x576x256xf32>
    tpu.vector_store %arg6[%swap3A_146, %swap3A_147, %swap3A_148], %swap3A_151 {strides = array<i32>} : memref<1x576x1024xf32, #tpu.memory_space<vmem>>, vector<1x576x256xf32>,
    %slice3A_152 = vector.extract_strided_slice %get3A_3 {offsets = [0, 512], sizes = [576, 256], strides = [1, 1]} : vector<576x1024xf32> to vector<576x256xf32>
    %add3A_153 = arith.addf %slice3A_152, %dot_general3A_44 : vector<576x256xf32>
    %swap3A_154 = arith.constant 0 : index
    %swap3A_155 = arith.constant 0 : index
    %swap3A_156 = arith.constant 512 : index
    %swap3A_157 = vector.load %arg6[%swap3A_154, %swap3A_155, %swap3A_156] : memref<1x576x1024xf32, #tpu.memory_space<vmem>>, vector<1x576x256xf32>
    %swap3A_158 = vector.shape_cast %swap3A_157 : vector<1x576x256xf32> to vector<576x256xf32>
    %swap3A_159 = vector.shape_cast %add3A_153 : vector<576x256xf32> to vector<1x576x256xf32>
    tpu.vector_store %arg6[%swap3A_154, %swap3A_155, %swap3A_156], %swap3A_159 {strides = array<i32>} : memref<1x576x1024xf32, #tpu.memory_space<vmem>>, vector<1x576x256xf32>,
    %slice3A_160 = vector.extract_strided_slice %get3A_3 {offsets = [0, 768], sizes = [576, 256], strides = [1, 1]} : vector<576x1024xf32> to vector<576x256xf32>
    %swap3A_161 = arith.constant 0 : index
    %swap3A_162 = arith.constant 0 : index
    %swap3A_163 = arith.constant 768 : index
    %swap3A_164 = vector.load %arg6[%swap3A_161, %swap3A_162, %swap3A_163] : memref<1x576x1024xf32, #tpu.memory_space<vmem>>, vector<1x576x256xf32>
    %swap3A_165 = vector.shape_cast %swap3A_164 : vector<1x576x256xf32> to vector<576x256xf32>
    %swap3A_166 = vector.shape_cast %slice3A_160 : vector<576x256xf32> to vector<1x576x256xf32>
    tpu.vector_store %arg6[%swap3A_161, %swap3A_162, %swap3A_163], %swap3A_166 {strides = array<i32>} : memref<1x576x1024xf32, #tpu.memory_space<vmem>>, vector<1x576x256xf32>,
    return
  }
  func.func @transform_0(%arg0: i32) -> (i32, i32, i32) {
    %c0_i32 = arith.constant 0 : i32
    %c0_i32_0 = arith.constant 0 : i32
    %c0_i32_1 = arith.constant 0 : i32
    return %arg0, %c0_i32, %c0_i32_0 : i32, i32, i32
  }
  func.func @transform_1(%arg0: i32) -> (i32, i32) {
    %c0_i32 = arith.constant 0 : i32
    %c0_i32_0 = arith.constant 0 : i32
    %c0_i32_1 = arith.constant 0 : i32
    return %c0_i32, %c0_i32_0 : i32, i32
  }
  func.func @transform_2(%arg0: i32) -> (i32, i32) {
    %c0_i32 = arith.constant 0 : i32
    %c0_i32_0 = arith.constant 0 : i32
    %c0_i32_1 = arith.constant 0 : i32
    return %c0_i32, %c0_i32_0 : i32, i32
  }
  func.func @transform_3(%arg0: i32) -> (i32, i32) {
    %c0_i32 = arith.constant 0 : i32
    %c0_i32_0 = arith.constant 0 : i32
    %c0_i32_1 = arith.constant 0 : i32
    return %c0_i32, %c0_i32_0 : i32, i32
  }
  func.func @transform_4(%arg0: i32) -> (i32, i32, i32) {
    %c0_i32 = arith.constant 0 : i32
    %c0_i32_0 = arith.constant 0 : i32
    %c0_i32_1 = arith.constant 0 : i32
    return %arg0, %c0_i32, %c0_i32_0 : i32, i32, i32
  }
  func.func @transform_5(%arg0: i32) -> (i32, i32, i32) {
    %c0_i32 = arith.constant 0 : i32
    %c0_i32_0 = arith.constant 0 : i32
    %c0_i32_1 = arith.constant 0 : i32
    return %arg0, %c0_i32, %c0_i32_0 : i32, i32, i32
  }
}

</mosaic_0001>

<sc_bundles>
// kernel: sparse-core-data-format-call.cloned.1.call-start
scs
called_computation_lowered:
.L_overlay_start_0:
0x0: {  	s2 =	sld [smem:$0x3FD9]  }
0x1: {  	s3 =	sld [smem:$0x3FFE];
	_ =	sdelay $0x1  }
0x2: {  	s1 =	srdreg.scid  }
0x3: {  	s0 =	sand.u32 $0x1, s1  }
0x4: {  	s18 =	sshll.u32 s0, $0xA;
	s2 =	sadd.s32 s3, s2  }
0x5: {  	s2 =	sadd.s32 s2, s18  }
0x6: {  	[smem:$0x3FC3] =	sst s2  }
0x7: {  	_ = 	snop  }
0x8: {  	s2 =	sld [smem:$0x3FD0];
	(tm) =	ssettm $0x1  }
0x9: {  	s19 =	sld [smem:$0x3FFB];
	_ =	sdelay $0x3  }
0xa: {  	_ =	strace s19  }
0xb: {  	s3 =	sld [smem:$0x3FFC];
	_ =	sdelay $0x3  }
0xc: {  	_ =	strace s3  }
0xd: {  	s3 =	sld [smem:$0x3FFD];
	_ =	sdelay $0x3  }
0xe: {  	_ =	strace s3  }
0xf: {  	_ =	strace $0x8FFFFFFF  }
0x10: {  	s20 =	sld [smem:$0x3FDB];
	_ =	sdelay $0x1  }
0x11: {  	s4 =	simm.s32 $_scs_section_size  }
0x12: {  	s5 =	simm.s32 $_size__tile_overlayer_lowered;
	s6 =	simm.s32 $_tile_overlayer_lowered  }
0x13: {  	s23 =	simm.s32 $0x1BFF;
	s22 =	sshll.u32 s6, $0x1;
	s3 =	sadd.s32 s4, s20  }
0x14: {  	s7 =	simm.s32 $0x0;
	s21 =	sshll.u32 s5, $0x1;
	s5 =	sadd.s32 s22, s3  }
0x15: {  	[timem:s7], [sflag:s23] =	dma.local [hbm:s5], s21  }
0x16: {  	_ =	swait.ge [sflag:s23], s21  }
0x17: {  	s4 =	ssub.s32 $0x0, s21;
	[sflag:s23] =	ssyncset.done $0x0  }
0x18: {  	[sflag:s23] =	ssyncadd.s32 s4;
	_ =	sdelay $0x1  }
0x19: {  	s24 =	simm.s32 $0x1B8B  }
0x1a: {  	_ =	swait.ge [sflag:s24], $0x1  }
0x1b: {  	[sflag:s24] =	ssyncset.done $0x0  }
0x1c: {  	s26 =	simm.s32 $0x1B8E;
	s25 =	sld [smem:$0x3FFE];
	[sflag:s24] =	ssyncadd.s32 $0xFFFFFFFF  }
0x1d: {  	s27 =	simm.s32 $execute0_lowered;
	[smem:$0x3FD2] =	sst s26  }
0x1e: {  	s5 =	sshll.u32 s27, $0x1;
	_ =	strace $0x80000046;
	[dreg:$0x1] =	wrdreg $0xFFFFFFFF  }
0x1f: {  	s28 =	simm.s32 $_size_execute0_lowered;
	s3 =	sadd.s32 s3, s5;
	[dreg:$0x0] =	wrdreg $0x0  }
0x20: {  	s5 =	sshll.u32 s28, $0x1;
	[dreg:$0x2] =	wrdreg s3  }
0x21: {  	[dreg:$0x3] =	wrdreg s5  }
0x22: {  	[dreg:$0x4] =	wrdreg $0xC0  }
0x23: {  	_ =	task [dreg:s7], $0x5FFFF  }
0x24: {  	[dreg:$0x1] =	wrdreg $0xFFFFFFFF  }
0x25: {  	[dreg:$0x0] =	wrdreg $0x60  }
0x26: {  	[dreg:$0x2] =	wrdreg s25  }
0x27: {  	[dreg:$0x3] =	wrdreg s2  }
0x28: {  	[dreg:$0x4] =	wrdreg $0x9  }
0x29: {  	_ =	task.clear_ibuf [dreg:s7], $0x5FFFF;
	_ =	strace $0x90000046  }
0x2a: {  	s29 =	simm.s32 $0x9;
	_ =	strace $0x80000048  }
0x2b: {  	_ =	swait.ge [sflag:s29], $0x1  }
0x2c: {  	[sflag:s29] =	ssyncadd.s32 $0xFFFFFFFF  }
0x2d: {  	_ =	strace $0x90000048  }
0x2e: {  	_ =	sfence  }
0x2f: {  	s30 =	sld [smem:$0x0];
	_ =	sdelay $0x2  }
0x30: {  	s31 =	sshll.u32 s1, $0xD;
	s1 =	sshrl.u32 s1, $0x2  }
0x31: {  	s3 =	sand.u32 $0x4000, s31;
	s1 =	sadd.s32 s1, s30  }
0x32: {  	s0 =	sor.u32 s3, s0;
	s1 =	sshll.u32 s1, $0x11  }
0x33: {  	s0 =	sor.u32 s1, s0  }
0x34: {  	s0 =	sadd.s32 $0x8F2B, s0  }
0x35: {  	[sflag:s0] =	ssyncadd.remote.s32 $0x1  }
0x36: {  	_ =	sfence.sel $0xFFFF  }
0x37: {  	[dreg:$0x0] =	wrdreg $0xFFFFFFFF;
	(pc) =	sbr.abs _section_cstart, $3  }
0x38: {  	[dreg:$0x1] =	wrdreg $0xFFFFFFFF  }
0x39: {  	_ =	task.clear_ibuf [dreg:s7], $0x2FFFF;
	_ =	strace $0x9FFFFFFF  }
0x3a: {  	(tm) =	ssettm $0x7FFFFFFF  }
0x3b: {  	_ =	shalt  }
tec
execute0_lowered:
.L_overlay_start_1:
0x0: {  	(tag) =	ssettag $0x1  }
0x1: {  	s0 =	stileid.u32;
	s1 =	srdreg.scid  }
0x2: {  	s9 =	rddreg [dreg:$0x0];
	s31 =	simm.s32 $0x2;
	s21 =	simm.s32 $0x0  }
0x3: {  	s12 =	simm.s32 $0x12000;
	s13 =	simm.s32 $0x0;
	s18 =	simm.s32 $0x0  }
0x4: {  	s19 =	simm.s32 $0x0;
	s1 =	sshll.u32 s1, $0x4;
	s8 =	sshll.u32 s0, $0x7  }
0x5: {  	s20 =	simm.s32 $0x0;
	s2 =	sand.u32 $0x10, s1;
	s1 =	sand.u32 $0x80, s8  }
0x6: {  	s27 =	sshrl.u32 s0, $0x1;
	s6 =	sor.u32 s0, s2;
	s4 =	ssub.s32 $0x100, s1  }
0x7: {  	s2 =	sand.u32 $0x1, s27;
	s3 =	sshll.u32 s6, $0x5;
	s5 =	sshrl.u32 s4, $0x7  }
0x8: {  	s4 =	sshrl.u32 s4, $0x8;
	s28 =	ssub.s32 $0x18, s2;
	s3 =	sand.u32 $0x380, s3  }
0x9: {  	s5 =	sand.u32 $0x1, s5;
	s10 =	sshrl.u32 s28, $0x1;
	s7 =	ssub.s32 $0x400, s3  }
0xa: {  	s4 =	sadd.s32 s4, s5;
	s5 =	sand.u32 $0x1, s28;
	s11 =	sand.u32 $0x380, s7  }
0xb: {  	s5 =	sadd.s32 s5, s10;
	s10 =	simm.s32 $0x1;
	p0 =	sne.s32 s11, $0x0  }
0xc: {  	s7 =	sshrl.u32 s7, $0xA;
	s29 =	smul.u32 s4, s5;
	s10 =	simm.s32 @!p0 $0x0  }
0xd: {  	s14 =	simm.s32 $0x0;
	s17 =	simm.s32 $0x0;
	s7 =	sadd.s32 s10, s7  }
0xe: {  	s8 =	sand.u32 $0x200, s8;
	s6 =	sshll.u32 s6, $0x4;
	s7 =	smul.u32 s7, s29  }
.Ltmp0:
0xf: {  	s16 =	smov.u32 s1;
	s30 =	sand.u32 $0x180, s6;
	(pc) =	sbr.rel .LBB1_1-.Ltmp0, $4  }
0x10: {  	s6 =	simm.s32 $0x1;
	s9 =	sadd.s32 s30, s9;
	s5 =	rddreg [dreg:$0x1]  }
0x11: {  	s4 =	rddreg [dreg:$0x2];
	_ =	strace $0x80000047;
	s7 =	smul.u32 $0x3, s7  }
0x12: {  	s15 =	smov.u32 s2;
	s9 =	sadd.s32 $0x241C00, s9;
	[sflag:s6] =	ssyncpa.u1 $0x0  }
0x13: {  	s11 =	simm.s32 $0x80;
	[sflag:s31] =	ssyncpa.u1 $0x0;
	s10 =	sadd.s32 $0x1, s7  }
.LBB1_4:
0x14: {  	_ =	sdelay $0x3  }
0x15: {  	[tilespmem:v0+s24+$0xFFFFFFA0 ss:$0x1] =	vst.idx.msk $0xffff, v6  }
0x16: {  	v56 =	vld.idx.msk [tilespmem:v1+s23+$0x30 ss:$0x1], $0xffff;
	[tilespmem:v0+s24+$0xFFFFFFB0 ss:$0x1] =	vst.idx.msk $0xffff, v5  }
0x17: {  	v57 =	vld.idx.msk [tilespmem:v1+s23+$0xFFFFFFC0 ss:$0x1], $0xffff;
	[tilespmem:v0+s24+$0xFFFFFFC0 ss:$0x1] =	vst.idx.msk $0xffff, v4  }
0x18: {  	s25 =	sshll.u32 s19, $0xA;
	v58 =	vld.idx.msk [tilespmem:v1+s23+$0xFFFFFFD0 ss:$0x1], $0xffff;
	[tilespmem:v0+s24+$0xFFFFFFD0 ss:$0x1] =	vst.idx.msk $0xffff, v2  }
0x19: {  	s21 =	sshll.u32 s21, $0x3;
	v59 =	vld.idx.msk [tilespmem:v1+s23+$0xFFFFFFE0 ss:$0x1], $0xffff;
	[tilespmem:v0+s24+$0xFFFFFFE0 ss:$0x1] =	vst.idx.msk $0xffff, v3;
	s25 =	sand.u32 $0xFFFFE000, s25  }
0x1a: {  	v60 =	vld.idx.msk [tilespmem:v1+s23+$0xFFFFFFF0 ss:$0x1], $0xffff;
	[tilespmem:v0+s24+$0xFFFFFFF0 ss:$0x1] =	vst.idx.msk $0xffff, v7;
	s21 =	sor.u32 s25, s21  }
0x1b: {  	v61 =	vld.idx.msk [tilespmem:v1+s23+$0x0 ss:$0x1], $0xffff;
	s20 =	smul.u32 $0x2400, s20;
	s21 =	sshrl.u32 s21, $0xA;
	[tilespmem:v0+s23+$0x0 ss:$0x1] =	vst.idx.msk $0xffff, v56  }
0x1c: {  	v62 =	vld.idx.msk [tilespmem:v1+s23+$0x10 ss:$0x1], $0xffff;
	s29 =	smulhi.u32 $0xAAAAAAB, s21;
	[tilespmem:v0+s23+$0xFFFFFF90 ss:$0x1] =	vst.idx.msk $0xffff, v57  }
0x1d: {  	v63 =	vld.idx.msk [tilespmem:v1+s23+$0x20 ss:$0x1], $0xffff;
	s18 =	smul.u32 $0xC00, s18;
	[tilespmem:v0+s23+$0xFFFFFFA0 ss:$0x1] =	vst.idx.msk $0xffff, v58  }
0x1e: {  	[tilespmem:v0+s23+$0xFFFFFFB0 ss:$0x1] =	vst.idx.msk $0xffff, v59;
	s24 =	smul.u32 $0x18, s29  }
0x1f: {  	s30 =	sshll.u32 s19, $0x4;
	s20 =	sadd.s32 s5, s20;
	[tilespmem:v0+s23+$0xFFFFFFC0 ss:$0x1] =	vst.idx.msk $0xffff, v60  }
0x20: {  	s19 =	sand.u32 $0x70, s30;
	s18 =	sadd.s32 s18, s20;
	[tilespmem:v0+s23+$0xFFFFFFD0 ss:$0x1] =	vst.idx.msk $0xffff, v61;
	s21 =	ssub.s32 s21, s24  }
0x21: {  	s18 =	sadd.s32 s19, s18;
	[tilespmem:v0+s23+$0xFFFFFFE0 ss:$0x1] =	vst.idx.msk $0xffff, v62;
	s31 =	sshll.u32 s21, $0x7  }
0x22: {  	[tilespmem:v0+s23+$0xFFFFFFF0 ss:$0x1] =	vst.idx.msk $0xffff, v63;
	s18 =	sadd.s32 s31, s18  }
0x23: {  	[hbm4b:s18+s11] =	stream.strided.scatter [tilespmem:s22], [sflag:$0x2], $0x4000, s12, s11, $0x38;
	[tilespmem:$0x10000] =	vst v63  }
.LBB1_5:
0x24: {  	s22 =	sadd.s32 $0x1, s14  }
0x25: {  	s18 =	sadd.s32 $0x2, s15;
	s23 =	smov.u32 s15;
	p1 =	sgt.s32 s22, $0x2  }
0x26: {  	s23 =	smov.u32 @p1 s18  }
0x27: {  	s24 =	smov.u32 s16;
	s18 =	sadd.s32 $0x100, s16;
	p2 =	sgt.s32 s23, $0x17  }
0x28: {  	s24 =	smov.u32 @p2 s18  }
0x29: {  	s22 =	simm.s32 @p1 $0x0;
	p1 =	sgt.s32 s24, $0xFF  }
0x2a: {  	p0 =	slt.u32 s17, $0x2;
	s24 =	smov.u32 @p1 s1;
	p1 =	sne.s32 s17, s10  }
.Ltmp1:
0x2b: {  	s19 =	smov.u32 s15;
	s21 =	simm.s32 @!p0 $0x2;
	(pc) =	sbr.rel @!p1 .LBB1_6-.Ltmp1, $4  }
0x2c: {  	s20 =	smov.u32 s16;
	s13 =	sadd.s32 $0x4000, s13;
	_ =	swait.ge @!p0 [sflag:s21], $0x4000  }
0x2d: {  	[sflag:s21] =	ssyncset.done @!p0 $0x0;
	s23 =	smov.u32 @p2 s2;
	s18 =	smov.u32 s14  }
0x2e: {  	[sflag:s21] =	ssyncadd.s32 @!p0 $0xFFFFC000;
	s21 =	smov.u32 s3;
	s14 =	smov.u32 s22  }
0x2f: {  	s15 =	smov.u32 s23;
	s17 =	sadd.s32 $0x1, s17;
	s16 =	smov.u32 s24  }
.LBB1_1:
0x30: {  	p0 =	sge.u32 s17, s7  }
0x31: {  	s31 =	sadd.s32 $0xFFFFFFFF, s17;
	s23 =	sshll.u32 @!p0 s14, $0x7;
	s24 =	smul.u32 @!p0 $0x3000, s16  }
0x32: {  	s22 =	sxor.u32 @!p0 $0xFFFFFFFF, s17;
	s25 =	sshll.u32 @!p0 s15, $0x9;
	s23 =	sand.u32 @!p0 $0x180, s23  }
0x33: {  	s22 =	sshll.u32 @!p0 s22, $0xE;
	s23 =	sor.u32 @!p0 s8, s23;
	s24 =	sadd.s32 @!p0 s24, s9  }
0x34: {  	s22 =	sand.u32 @!p0 $0x4000, s22;
	s23 =	sshrl.u32 @!p0 s23, $0x3;
	s24 =	sadd.s32 @!p0 s25, s24  }
0x35: {  	s25 =	simm.s32 @!p0 $0x18000;
	s23 =	sadd.s32 @!p0 s23, s24;
	s24 =	simm.s32 @!p0 $0x80  }
0x36: {  	[tilespmem:s22], [sflag:$0x1] =	stream.strided.gather @!p0 [hbm4b:s23+s24], $0x4000, s25, s24, $0x38;
	[tilespmem:$0x10000] =	vst v63  }
0x37: {  	p0 =	sge.u32 s31, s7  }
.Ltmp2:
0x38: {  	_ = 	snop;
	(pc) =	sbr.rel @p0 .LBB1_5-.Ltmp2, $1  }
0x39: {  	_ =	sdelay $0x3  }
0x3a: {  	s22 =	sand.u32 $0x4000, s13  }
0x3b: {  	s23 =	sor.u32 $0x40, s22  }
0x3c: {  	v1 =	vmov s23;
	_ =	sdelay $0x1  }
0x3d: {  	_ =	swait.ge [sflag:s6], $0x4000  }
0x3e: {  	[sflag:s6] =	ssyncset.done $0x0  }
0x3f: {  	s24 =	simm.s32 $0x0;
	[sflag:s6] =	ssyncadd.s32 $0xFFFFC000  }
0x40: {  	s22 =	sor.u32 $0x8070, s22;
	v7 =	vld.idx.msk [tilespmem:v1+s24+$0x30 ss:$0x1], $0xffff  }
0x41: {  	v0 =	vmov s22;
	v8 =	vld.idx.msk [tilespmem:v1+s24+$0xFFFFFFC0 ss:$0x1], $0xffff  }
0x42: {  	v6 =	vld.idx.msk [tilespmem:v1+s24+$0xFFFFFFD0 ss:$0x1], $0xffff  }
0x43: {  	v5 =	vld.idx.msk [tilespmem:v1+s24+$0xFFFFFFE0 ss:$0x1], $0xffff  }
0x44: {  	v4 =	vld.idx.msk [tilespmem:v1+s24+$0xFFFFFFF0 ss:$0x1], $0xffff  }
0x45: {  	s31 =	sshll.u32 s17, $0xE;
	v2 =	vld.idx.msk [tilespmem:v1+s24+$0x0 ss:$0x1], $0xffff  }
0x46: {  	s22 =	sand.u32 $0x4000, s31;
	v3 =	vld.idx.msk [tilespmem:v1+s24+$0x10 ss:$0x1], $0xffff;
	[tilespmem:v0+s24+$0x0 ss:$0x1] =	vst.idx.msk $0xffff, v7  }
0x47: {  	s25 =	simm.s32 $0x400;
	s23 =	simm.s32 $0x80;
	s22 =	sor.u32 $0x8000, s22;
	[tilespmem:v0+s24+$0xFFFFFF90 ss:$0x1] =	vst.idx.msk $0xffff, v8;
	v7 =	vld.idx.msk [tilespmem:v1+s24+$0x20 ss:$0x1], $0xffff  }
.LBB1_3:
0x48: {  	p0 =	sne.s32 s25, $0xFE00;
	v8 =	vld.idx.msk [tilespmem:v1+s23+$0x30 ss:$0x1], $0xffff;
	[tilespmem:v0+s24+$0xFFFFFFA0 ss:$0x1] =	vst.idx.msk $0xffff, v6  }
0x49: {  	v9 =	vld.idx.msk [tilespmem:v1+s23+$0xFFFFFFC0 ss:$0x1], $0xffff;
	[tilespmem:v0+s24+$0xFFFFFFB0 ss:$0x1] =	vst.idx.msk $0xffff, v5  }
0x4a: {  	v6 =	vld.idx.msk [tilespmem:v1+s23+$0xFFFFFFD0 ss:$0x1], $0xffff;
	[tilespmem:v0+s24+$0xFFFFFFC0 ss:$0x1] =	vst.idx.msk $0xffff, v4  }
.Ltmp3:
0x4b: {  	v5 =	vld.idx.msk [tilespmem:v1+s23+$0xFFFFFFE0 ss:$0x1], $0xffff;
	[tilespmem:v0+s24+$0xFFFFFFD0 ss:$0x1] =	vst.idx.msk $0xffff, v2;
	(pc) =	sbr.rel @p0 .LBB1_3-.Ltmp3, $4  }
0x4c: {  	v4 =	vld.idx.msk [tilespmem:v1+s23+$0xFFFFFFF0 ss:$0x1], $0xffff;
	[tilespmem:v0+s24+$0xFFFFFFE0 ss:$0x1] =	vst.idx.msk $0xffff, v3  }
0x4d: {  	v2 =	vld.idx.msk [tilespmem:v1+s23+$0x0 ss:$0x1], $0xffff;
	[tilespmem:v0+s24+$0xFFFFFFF0 ss:$0x1] =	vst.idx.msk $0xffff, v7;
	s24 =	smov.u32 s23  }
0x4e: {  	v3 =	vld.idx.msk [tilespmem:v1+s24+$0x10 ss:$0x1], $0xffff;
	[tilespmem:v0+s24+$0x0 ss:$0x1] =	vst.idx.msk $0xffff, v8  }
0x4f: {  	s23 =	sshra.s32 s25, $0x2;
	s25 =	sadd.s32 $0x200, s25;
	[tilespmem:v0+s24+$0xFFFFFF90 ss:$0x1] =	vst.idx.msk $0xffff, v9;
	v7 =	vld.idx.msk [tilespmem:v1+s24+$0x20 ss:$0x1], $0xffff  }
.Ltmp4:
0x50: {  	_ = 	snop;
	(pc) =	sbr.rel .LBB1_4-.Ltmp4, $1  }
0x51: {  	_ =	sdelay $0x3  }
.LBB1_6:
0x52: {  	_ =	sfence.sel $0x180000  }
0x53: {  	s1 =	simm.s32 $0x1;
	[bflag:$0x0] =	sbarrier.arrive $0xFFFF  }
0x54: {  	s31 =	simm.s32 $0x2;
	[sflag:s1] =	ssyncpa.u1 $0x1  }
0x55: {  	[sflag:s31] =	ssyncpa.u1 $0x1  }
0x56: {  	p0 =	sne.s32 s0, $0x0;
	_ =	strace $0x90000047  }
0x57: {  	s0 =	sadd.s32 @!p0 $0x100000, s4;
	[bflag:$0x2] =	sbarrier.arrive $0xFFFF  }
0x58: {  	[sflag:s0] =	ssyncadd.tile.s32 @!p0 $0x1;
	_ =	shalt  }
.Lfunc_end1:
_tile_overlayer_lowered:
.L_overlay_start_2:
0x59: {  	(tag) =	ssettag $0x2  }
0x5a: {  	s0 =	rddreg [dreg:$0x0];
	s2 =	stileid.u32  }
0x5b: {  	s1 =	rddreg [dreg:$0x1];
	p0 =	sne.s32 s2, $0x0  }
0x5c: {  	s3 =	rddreg [dreg:$0x2];
	[bflag:$0x3] =	sbarrier.arrive $0xFFFF;
	s2 =	simm.s32 @!p0 $0x1C01  }
0x5d: {  	[timem:s3], [sflag:s2] =	dma.local @!p0 [hbm:s0], s1  }
0x5e: {  	s0 =	simm.s32 @!p0 $0x1  }
0x5f: {  	_ =	swait.ge @!p0 [sflag:s0], s1  }
0x60: {  	s1 =	ssub.s32 @!p0 $0x0, s1;
	[sflag:s0] =	ssyncset.done @!p0 $0x0  }
0x61: {  	[sflag:s0] =	ssyncadd.s32 @!p0 s1  }
0x62: {  	[bflag:$0x3] =	sbarrier.arrive $0xFFFF  }
0x63: {  	_ =	shalt  }

</sc_bundles>
